<compile_context>
chip_gen: v7x
topology: tpu7x:2x2x1
jax: 0.10.2.dev20260603
libtpu: 0.0.44.dev20260713+nightly
codegen_flags: <defaults>
</compile_context>

<pallas_src>
import functools

import jax
import jax.numpy as jnp
from jax import lax
from jax.experimental import pallas as pl
from jax.experimental.pallas import tpu as pltpu
from jax.experimental.pallas import tpu_sc as plsc

B = 16384
ND = 13
NS = 26
V = 100000
D = 16
H1, H2 = 128, 64
IN_DIM = ND + NS * D

NCORES = 2
NSUB = 16
NWORK = NCORES * NSUB
GB = 128
NGROUPS = B // GB
GROUPS_PER_WORKER = NGROUPS // NWORK
GROWS = GB * NS

TILE_B = 2048


def _sc_gather_body(emb_hbm, idx_hbm, out_hbm, idx_v, buf_v, sem):
    w = lax.axis_index("s") * NCORES + lax.axis_index("c")

    def one_group(t, carry):
        g = w * GROUPS_PER_WORKER + t
        pltpu.sync_copy(idx_hbm.at[pl.ds(g * GROWS, GROWS)], idx_v)

        def fire(k, c):
            pltpu.make_async_copy(
                emb_hbm.at[idx_v.at[pl.ds(k * GB, GB)]],
                buf_v.at[pl.ds(k * GB, GB)],
                sem,
            ).start()
            return c

        def drain(k, c):
            pltpu.make_async_copy(
                emb_hbm.at[idx_v.at[pl.ds(k * GB, GB)]],
                buf_v.at[pl.ds(k * GB, GB)],
                sem,
            ).wait()
            return c

        lax.fori_loop(0, NS, fire, 0)
        lax.fori_loop(0, NS, drain, 0)
        pltpu.sync_copy(buf_v, out_hbm.at[pl.ds(g * GROWS, GROWS)])
        return carry

    lax.fori_loop(0, GROUPS_PER_WORKER, one_group, 0)


@functools.lru_cache(maxsize=None)
def _sc_gather_kernel():
    return pl.kernel(
        _sc_gather_body,
        out_type=jax.ShapeDtypeStruct((NS * B, D), jnp.float32),
        mesh=plsc.VectorSubcoreMesh(core_axis_name="c", subcore_axis_name="s"),
        scratch_types=[
            pltpu.VMEM((GROWS,), jnp.int32),
            pltpu.VMEM((GROWS, D), jnp.float32),
            pltpu.SemaphoreType.DMA,
        ],
        compiler_params=pltpu.CompilerParams(use_tc_tiling_on_sc=False),
    )


def _tc_body(x_ref, beta_ref, wlin_ref, blin_ref, w1_ref, b1_ref, w2_ref,
             b2_ref, wout_ref, bout_ref, m_ref, o_ref):
    hi = jax.lax.Precision.HIGHEST
    x = x_ref[...]
    beta = beta_ref[...]
    w1 = w1_ref[...]
    wlin = wlin_ref[...]
    b1 = beta @ w1[:ND] + b1_ref[...]
    h1 = jnp.maximum(jnp.dot(x, w1[ND:], precision=hi) + b1, 0.0)
    h2 = jnp.maximum(jnp.dot(h1, w2_ref[...], precision=hi) + b2_ref[...], 0.0)
    lin = (jnp.dot(x, wlin[ND:], precision=hi)
           + beta @ wlin[:ND] + blin_ref[...])
    sm = jnp.dot(x, m_ref[...], precision=hi)
    cross = 0.5 * (jnp.sum(sm * sm, axis=-1, keepdims=True)
                   - jnp.sum(x * x, axis=-1, keepdims=True))
    wout = wout_ref[...]
    z = ((lin + cross) * jnp.sum(wout)
         + jnp.dot(h2, wout, precision=hi) + bout_ref[...])
    o_ref[...] = jax.nn.sigmoid(z)


def _tc_forward(x, beta, wlin, blin, w1, b1, w2, b2, wout, bout, msum):
    grid = (B // TILE_B,)
    full = lambda shape: pl.BlockSpec(shape, lambda g: (0, 0))
    return pl.pallas_call(
        _tc_body,
        grid=grid,
        in_specs=[
            pl.BlockSpec((TILE_B, NS * D), lambda g: (g, 0)),
            full((1, ND)),
            full((IN_DIM, 1)),
            full((1, 1)),
            full((IN_DIM, H1)),
            full((1, H1)),
            full((H1, H2)),
            full((1, H2)),
            full((H2, 1)),
            full((1, 1)),
            full((NS * D, D)),
        ],
        out_specs=pl.BlockSpec((TILE_B, 1), lambda g: (g, 0)),
        out_shape=jax.ShapeDtypeStruct((B, 1), jnp.float32),
    )(x, beta, wlin, blin, w1, b1, w2, b2, wout, bout, msum)


def kernel(dense_0, dense_1, dense_2, dense_3, dense_4, dense_5, dense_6,
           dense_7, dense_8, dense_9, dense_10, dense_11, dense_12,
           sparse_0, sparse_1, sparse_2, sparse_3, sparse_4, sparse_5,
           sparse_6, sparse_7, sparse_8, sparse_9, sparse_10, sparse_11,
           sparse_12, sparse_13, sparse_14, sparse_15, sparse_16, sparse_17,
           sparse_18, sparse_19, sparse_20, sparse_21, sparse_22, sparse_23,
           sparse_24, sparse_25,
           emb_tables, ln_gamma, ln_beta, W_lin, b_lin, W1, b1, W2, b2,
           W_out, b_out):
    sparse = [sparse_0, sparse_1, sparse_2, sparse_3, sparse_4, sparse_5,
              sparse_6, sparse_7, sparse_8, sparse_9, sparse_10, sparse_11,
              sparse_12, sparse_13, sparse_14, sparse_15, sparse_16,
              sparse_17, sparse_18, sparse_19, sparse_20, sparse_21,
              sparse_22, sparse_23, sparse_24, sparse_25]
    idx = jnp.concatenate(sparse, axis=1)
    idx_flat = (idx + jnp.arange(NS, dtype=jnp.int32)[None, :] * V).reshape(-1)
    emb_flat = emb_tables.reshape(NS * V, D)

    gathered = _sc_gather_kernel()(emb_flat, idx_flat)
    gathered = gathered.reshape(B, NS * D)

    msum = jnp.tile(jnp.eye(D, dtype=jnp.float32), (NS, 1))
    return _tc_forward(
        gathered,
        ln_beta.reshape(1, ND),
        W_lin,
        b_lin.reshape(1, 1),
        W1,
        b1.reshape(1, H1),
        W2,
        b2.reshape(1, H2),
        W_out,
        b_out.reshape(1, 1),
        msum,
    )

# --- scband reference (transcript-rebuilt; emitter-appended) ---
"""Pipeline reference for scband-deep-fm-14946486190645 (READ-ONLY COPY).

The authoritative reference and input builder live on the scoring server;
editing this copy changes nothing except your own understanding.
"""

import jax, jax.numpy as jnp
import numpy as np

B = 16384
ND = 13
NS = 26
V = 100000
D = 16
H1, H2 = 128, 64
IN_DIM = ND + NS * D


def setup_inputs(seed: int = 0):
    key = jax.random.key(seed)
    inp = {}
    for i in range(ND):
        key, k = jax.random.split(key)
        inp["dense_%d" % i] = jax.random.normal(k, (B, 1), dtype=jnp.float32)
    for i in range(NS):
        key, k = jax.random.split(key)
        inp["sparse_%d" % i] = jax.random.randint(k, (B, 1), 0, V, dtype=jnp.int32)
    key, k = jax.random.split(key)
    inp["emb_tables"] = jax.random.normal(k, (NS, V, D), dtype=jnp.float32) * 0.05
    inp["ln_gamma"] = jnp.ones((ND,), jnp.float32)
    inp["ln_beta"] = jnp.zeros((ND,), jnp.float32)
    key, k = jax.random.split(key)
    inp["W_lin"] = jax.random.normal(k, (IN_DIM, 1), jnp.float32) * 0.02
    inp["b_lin"] = jnp.zeros((1,), jnp.float32)
    key, k = jax.random.split(key)
    inp["W1"] = jax.random.normal(k, (IN_DIM, H1), jnp.float32) * 0.02
    inp["b1"] = jnp.zeros((H1,), jnp.float32)
    key, k = jax.random.split(key)
    inp["W2"] = jax.random.normal(k, (H1, H2), jnp.float32) * 0.02
    inp["b2"] = jnp.zeros((H2,), jnp.float32)
    key, k = jax.random.split(key)
    inp["W_out"] = jax.random.normal(k, (H2, 1), jnp.float32) * 0.02
    inp["b_out"] = jnp.zeros((1,), jnp.float32)
    return inp


def _forward(dense_list, sparse_list, ln_gamma, ln_beta, emb_tables, W_lin, b_lin, W1, b1, W2, b2, W_out, b_out):
    eps = 1e-3  # keras LayerNormalization default epsilon
    dense_norm = []
    for i, x in enumerate(dense_list):
        mu = jnp.mean(x, axis=-1, keepdims=True)
        var = jnp.var(x, axis=-1, keepdims=True)
        dense_norm.append((x - mu) / jnp.sqrt(var + eps) * ln_gamma[i] + ln_beta[i])
    # embedding lookups: [B, D] per field (flattened [B,1,D])
    embs = [jnp.take(emb_tables[i], sparse_list[i][:, 0], axis=0) for i in range(NS)]
    combined = jnp.concatenate(dense_norm + embs, axis=-1)  # [B, ND + NS*D]
    linear_terms = combined @ W_lin + b_lin  # [B, 1]
    summed = sum(embs)  # [B, D]
    summed_sq = jnp.square(summed)
    sq_summed = sum(jnp.square(e) for e in embs)
    cross_terms = 0.5 * jnp.sum(summed_sq - sq_summed, axis=-1, keepdims=True)  # [B, 1]
    x = jax.nn.relu(combined @ W1 + b1)  # dropout inactive at inference
    x = jax.nn.relu(x @ W2 + b2)
    out = jax.nn.sigmoid((linear_terms + cross_terms + x) @ W_out + b_out)
    return out


def reference(dense_0, dense_1, dense_2, dense_3, dense_4, dense_5, dense_6,
              dense_7, dense_8, dense_9, dense_10, dense_11, dense_12,
              sparse_0, sparse_1, sparse_2, sparse_3, sparse_4, sparse_5,
              sparse_6, sparse_7, sparse_8, sparse_9, sparse_10, sparse_11,
              sparse_12, sparse_13, sparse_14, sparse_15, sparse_16, sparse_17,
              sparse_18, sparse_19, sparse_20, sparse_21, sparse_22, sparse_23,
              sparse_24, sparse_25,
              emb_tables, ln_gamma, ln_beta, W_lin, b_lin, W1, b1, W2, b2,
              W_out, b_out):
    dense_list = [dense_0, dense_1, dense_2, dense_3, dense_4, dense_5, dense_6,
                  dense_7, dense_8, dense_9, dense_10, dense_11, dense_12]
    sparse_list = [sparse_0, sparse_1, sparse_2, sparse_3, sparse_4, sparse_5,
                   sparse_6, sparse_7, sparse_8, sparse_9, sparse_10, sparse_11,
                   sparse_12, sparse_13, sparse_14, sparse_15, sparse_16,
                   sparse_17, sparse_18, sparse_19, sparse_20, sparse_21,
                   sparse_22, sparse_23, sparse_24, sparse_25]
    return _forward(dense_list, sparse_list, ln_gamma, ln_beta, emb_tables, W_lin, b_lin, W1, b1, W2, b2, W_out, b_out)

if __name__ == "__main__":
    import jax
    _d = setup_inputs()
    print(jax.jit(kernel)(*tuple(_d.values())))

</pallas_src>

<mosaic_0001>
#map = affine_map<(d0, d1) -> (0, 0)>
#map1 = affine_map<(d0, d1) -> (0)>
module attributes {stable_mosaic.version = 14 : i64} {
  func.func @_sc_gather_body(%arg0: i32, %arg1: i32, %arg2: memref<2600000x16xf32, #tpu.memory_space<hbm>>, %arg3: memref<425984xi32, #tpu.memory_space<hbm>>, %arg4: memref<425984x16xf32, #tpu.memory_space<hbm>>, %arg5: memref<3328xi32, #tpu.memory_space<vmem>>, %arg6: memref<3328x16xf32, #tpu.memory_space<vmem>>, %arg7: memref<!tpu.dma_semaphore, #tpu.memory_space<semaphore_mem>>) attributes {dimension_semantics = [#tpu.dimension_semantics<core_parallel>, #tpu.dimension_semantics<subcore_parallel>], iteration_bounds = array<i64: 2, 16>, scalar_prefetch = 0 : i64, scratch_operands = 3 : i64, tpu.core_type = #tpu.core_type<sc_vector_subcore>, window_params = [{transform_indices = #map}, {transform_indices = #map1}, {transform_indices = #map}]} {
    %mul3A = arith.constant 2 : i32
    %mul3A_0 = arith.muli %arg1, %mul3A : i32
    %add3A = arith.addi %mul3A_0, %arg0 : i32
    %scan3A = arith.constant 0 : i32
    %scan3A_1 = arith.constant 0 : i32
    %scan3A_2 = arith.constant 4 : i32
    %scan3A_3 = arith.addi %scan3A_1, %scan3A_2 : i32
    %scan3A_4 = arith.constant 1 : i32
    scf.for %scan3A_6 = %scan3A_1 to %scan3A_3 step %scan3A_4  : i32 {
      %mul3A_7 = arith.constant 4 : i32
      %mul3A_8 = arith.muli %add3A, %mul3A_7 : i32
      %add3A_9 = arith.addi %mul3A_8, %scan3A_6 : i32
      %mul3A_10 = arith.constant 3328 : i32
      %mul3A_11 = arith.muli %add3A_9, %mul3A_10 : i32
      "tpu.region"() ({
        %run_scoped3A = tpu.sem_alloc : memref<!tpu.dma_semaphore, #tpu.memory_space<semaphore_mem>>
        %dma_start3A = tpu.memref_slice %arg3[%mul3A_11] : memref<425984xi32, #tpu.memory_space<hbm>> -> memref<3328xi32, #tpu.memory_space<hbm>>
        %dma_start3A_26 = tpu.memref_slice %arg3[%mul3A_11] : memref<425984xi32, #tpu.memory_space<hbm>> -> memref<3328xi32, #tpu.memory_space<hbm>>
        tpu.enqueue_dma source(%dma_start3A_26 : memref<3328xi32, #tpu.memory_space<hbm>>) target(%arg5 : memref<3328xi32, #tpu.memory_space<vmem>>) target_semaphore(%run_scoped3A : memref<!tpu.dma_semaphore, #tpu.memory_space<semaphore_mem>>)
        %dma_wait3A = tpu.memref_slice %arg3[%mul3A_11] : memref<425984xi32, #tpu.memory_space<hbm>> -> memref<3328xi32, #tpu.memory_space<hbm>>
        %dma_wait3A_27 = tpu.memref_slice %arg3[%mul3A_11] : memref<425984xi32, #tpu.memory_space<hbm>> -> memref<3328xi32, #tpu.memory_space<hbm>>
        tpu.wait_dma2 semaphore(%run_scoped3A : memref<!tpu.dma_semaphore, #tpu.memory_space<semaphore_mem>>) src(%dma_wait3A_27 : memref<3328xi32, #tpu.memory_space<hbm>>) dst(%arg5 : memref<3328xi32, #tpu.memory_space<vmem>>)
        tpu.yield
      }) : () -> ()
      %scan3A_12 = arith.constant 0 : i32
      %scan3A_13 = arith.constant 0 : i32
      %scan3A_14 = arith.constant 26 : i32
      %scan3A_15 = arith.addi %scan3A_13, %scan3A_14 : i32
      %scan3A_16 = arith.constant 1 : i32
      scf.for %scan3A_26 = %scan3A_13 to %scan3A_15 step %scan3A_16  : i32 {
        %mul3A_27 = arith.constant 128 : i32
        %mul3A_28 = arith.muli %scan3A_26, %mul3A_27 : i32
        %mul3A_29 = arith.constant 128 : i32
        %mul3A_30 = arith.muli %scan3A_26, %mul3A_29 : i32
        %dma_start3A = arith.constant 0 : i32
        %dma_start3A_31 = tpu.memref_slice %arg6[%mul3A_30, %dma_start3A] : memref<3328x16xf32, #tpu.memory_space<vmem>> -> memref<128x16xf32, #tpu.memory_space<vmem>>
        %dma_start3A_32 = tpu.memref_slice %arg5[%mul3A_28] : memref<3328xi32, #tpu.memory_space<vmem>> -> memref<128xi32, #tpu.memory_space<vmem>>
        %dma_start3A_33 = arith.constant 0 : i32
        %dma_start3A_34 = arith.constant 0 : i32
        %dma_start3A_35 = tpu.memref_slice %arg2[%dma_start3A_33, %dma_start3A_34] : memref<2600000x16xf32, #tpu.memory_space<hbm>> -> memref<2600000x16xf32, #tpu.memory_space<hbm>>
        tpu.enqueue_indirect_dma source(%dma_start3A_35 : memref<2600000x16xf32, #tpu.memory_space<hbm>>) target(%dma_start3A_31 : memref<128x16xf32, #tpu.memory_space<vmem>>) offsets(%dma_start3A_32 : memref<128xi32, #tpu.memory_space<vmem>>) semaphore(%arg7 : memref<!tpu.dma_semaphore, #tpu.memory_space<semaphore_mem>>)
      }
      %scan3A_17 = arith.constant 26 : i32
      %scan3A_18 = arith.constant 0 : i32
      %scan3A_19 = arith.constant 0 : i32
      %scan3A_20 = arith.constant 26 : i32
      %scan3A_21 = arith.addi %scan3A_19, %scan3A_20 : i32
      %scan3A_22 = arith.constant 1 : i32
      scf.for %scan3A_26 = %scan3A_19 to %scan3A_21 step %scan3A_22  : i32 {
        %mul3A_27 = arith.constant 128 : i32
        %mul3A_28 = arith.muli %scan3A_26, %mul3A_27 : i32
        %mul3A_29 = arith.constant 128 : i32
        %mul3A_30 = arith.muli %scan3A_26, %mul3A_29 : i32
        %dma_wait3A = arith.constant 0 : i32
        %dma_wait3A_31 = tpu.memref_slice %arg6[%mul3A_30, %dma_wait3A] : memref<3328x16xf32, #tpu.memory_space<vmem>> -> memref<128x16xf32, #tpu.memory_space<vmem>>
        %dma_wait3A_32 = tpu.memref_slice %arg5[%mul3A_28] : memref<3328xi32, #tpu.memory_space<vmem>> -> memref<128xi32, #tpu.memory_space<vmem>>
        %dma_wait3A_33 = arith.constant 0 : i32
        %dma_wait3A_34 = arith.constant 0 : i32
        %dma_wait3A_35 = tpu.memref_slice %arg2[%dma_wait3A_33, %dma_wait3A_34] : memref<2600000x16xf32, #tpu.memory_space<hbm>> -> memref<2600000x16xf32, #tpu.memory_space<hbm>>
        tpu.wait_indirect_dma semaphore(%arg7 : memref<!tpu.dma_semaphore, #tpu.memory_space<semaphore_mem>>) src(%dma_wait3A_35 : memref<2600000x16xf32, #tpu.memory_space<hbm>>) dst(%dma_wait3A_31 : memref<128x16xf32, #tpu.memory_space<vmem>>)
      }
      %scan3A_23 = arith.constant 26 : i32
      %mul3A_24 = arith.constant 3328 : i32
      %mul3A_25 = arith.muli %add3A_9, %mul3A_24 : i32
      "tpu.region"() ({
        %run_scoped3A = tpu.sem_alloc : memref<!tpu.dma_semaphore, #tpu.memory_space<semaphore_mem>>
        %dma_start3A = arith.constant 0 : i32
        %dma_start3A_26 = tpu.memref_slice %arg4[%mul3A_25, %dma_start3A] : memref<425984x16xf32, #tpu.memory_space<hbm>> -> memref<3328x16xf32, #tpu.memory_space<hbm>>
        %dma_start3A_27 = arith.constant 0 : i32
        %dma_start3A_28 = tpu.memref_slice %arg4[%mul3A_25, %dma_start3A_27] : memref<425984x16xf32, #tpu.memory_space<hbm>> -> memref<3328x16xf32, #tpu.memory_space<hbm>>
        tpu.enqueue_dma source(%arg6 : memref<3328x16xf32, #tpu.memory_space<vmem>>) target(%dma_start3A_28 : memref<3328x16xf32, #tpu.memory_space<hbm>>) target_semaphore(%run_scoped3A : memref<!tpu.dma_semaphore, #tpu.memory_space<semaphore_mem>>)
        %dma_wait3A = arith.constant 0 : i32
        %dma_wait3A_29 = tpu.memref_slice %arg4[%mul3A_25, %dma_wait3A] : memref<425984x16xf32, #tpu.memory_space<hbm>> -> memref<3328x16xf32, #tpu.memory_space<hbm>>
        %dma_wait3A_30 = arith.constant 0 : i32
        %dma_wait3A_31 = tpu.memref_slice %arg4[%mul3A_25, %dma_wait3A_30] : memref<425984x16xf32, #tpu.memory_space<hbm>> -> memref<3328x16xf32, #tpu.memory_space<hbm>>
        tpu.wait_dma2 semaphore(%run_scoped3A : memref<!tpu.dma_semaphore, #tpu.memory_space<semaphore_mem>>) src(%arg6 : memref<3328x16xf32, #tpu.memory_space<vmem>>) dst(%dma_wait3A_31 : memref<3328x16xf32, #tpu.memory_space<hbm>>)
        tpu.yield
      }) : () -> ()
    }
    %scan3A_5 = arith.constant 4 : i32
    return
  }
}

module attributes {stable_mosaic.version = 14 : i64} {
  func.func @_tc_body(%arg0: i32, %arg1: memref<2048x416xf32, #tpu.memory_space<vmem>>, %arg2: memref<1x13xf32, #tpu.memory_space<vmem>>, %arg3: memref<429x1xf32, #tpu.memory_space<vmem>>, %arg4: memref<1x1xf32, #tpu.memory_space<vmem>>, %arg5: memref<429x128xf32, #tpu.memory_space<vmem>>, %arg6: memref<1x128xf32, #tpu.memory_space<vmem>>, %arg7: memref<128x64xf32, #tpu.memory_space<vmem>>, %arg8: memref<1x64xf32, #tpu.memory_space<vmem>>, %arg9: memref<64x1xf32, #tpu.memory_space<vmem>>, %arg10: memref<1x1xf32, #tpu.memory_space<vmem>>, %arg11: memref<416x16xf32, #tpu.memory_space<vmem>>, %arg12: memref<2048x1xf32, #tpu.memory_space<vmem>>) attributes {dimension_semantics = [#tpu.dimension_semantics<arbitrary>], iteration_bounds = array<i64: 8>, scalar_prefetch = 0 : i64, scratch_operands = 0 : i64, tpu.core_type = #tpu.core_type<tc>, window_params = [{transform_indices = @transform_0, window_bounds = array<i64: 2048, 416>}, {pipeline_mode = #tpu.pipeline_mode<synchronous>, transform_indices = @transform_1, window_bounds = array<i64: 1, 13>}, {pipeline_mode = #tpu.pipeline_mode<synchronous>, transform_indices = @transform_2, window_bounds = array<i64: 429, 1>}, {pipeline_mode = #tpu.pipeline_mode<synchronous>, transform_indices = @transform_3, window_bounds = array<i64: 1, 1>}, {pipeline_mode = #tpu.pipeline_mode<synchronous>, transform_indices = @transform_4, window_bounds = array<i64: 429, 128>}, {pipeline_mode = #tpu.pipeline_mode<synchronous>, transform_indices = @transform_5, window_bounds = array<i64: 1, 128>}, {pipeline_mode = #tpu.pipeline_mode<synchronous>, transform_indices = @transform_6, window_bounds = array<i64: 128, 64>}, {pipeline_mode = #tpu.pipeline_mode<synchronous>, transform_indices = @transform_7, window_bounds = array<i64: 1, 64>}, {pipeline_mode = #tpu.pipeline_mode<synchronous>, transform_indices = @transform_8, window_bounds = array<i64: 64, 1>}, {pipeline_mode = #tpu.pipeline_mode<synchronous>, transform_indices = @transform_9, window_bounds = array<i64: 1, 1>}, {pipeline_mode = #tpu.pipeline_mode<synchronous>, transform_indices = @transform_10, window_bounds = array<i64: 416, 16>}, {transform_indices = @transform_11, window_bounds = array<i64: 2048, 1>}]} {
    %get3A = arith.constant 0 : index
    %get3A_0 = arith.constant 0 : index
    %get3A_1 = vector.load %arg1[%get3A, %get3A_0] : memref<2048x416xf32, #tpu.memory_space<vmem>>, vector<2048x416xf32>
    %get3A_2 = arith.constant 0 : index
    %get3A_3 = arith.constant 0 : index
    %get3A_4 = vector.load %arg2[%get3A_2, %get3A_3] : memref<1x13xf32, #tpu.memory_space<vmem>>, vector<1x13xf32>
    %get3A_5 = arith.constant 0 : index
    %get3A_6 = arith.constant 0 : index
    %get3A_7 = vector.load %arg5[%get3A_5, %get3A_6] : memref<429x128xf32, #tpu.memory_space<vmem>>, vector<429x128xf32>
    %get3A_8 = arith.constant 0 : index
    %get3A_9 = arith.constant 0 : index
    %get3A_10 = vector.load %arg3[%get3A_8, %get3A_9] : memref<429x1xf32, #tpu.memory_space<vmem>>, vector<429x1xf32>
    %slice3A = vector.extract_strided_slice %get3A_7 {offsets = [0, 0], sizes = [13, 128], strides = [1, 1]} : vector<429x128xf32> to vector<13x128xf32>
    %dot_general3A = arith.constant dense<0.000000e+00> : vector<1x128xf32>
    %dot_general3A_11 = tpu.matmul %get3A_4, %slice3A, %dot_general3A {dimension_numbers = #tpu.dot_dimension_numbers<[1], [0], [0], [1], [0, 0, 1, 1], [], []>, transpose_lhs_hint = false} : vector<1x13xf32>, vector<13x128xf32>, vector<1x128xf32> -> vector<1x128xf32>
    %get3A_12 = arith.constant 0 : index
    %get3A_13 = arith.constant 0 : index
    %get3A_14 = vector.load %arg6[%get3A_12, %get3A_13] : memref<1x128xf32, #tpu.memory_space<vmem>>, vector<1x128xf32>
    %add3A = arith.addf %dot_general3A_11, %get3A_14 : vector<1x128xf32>
    %slice3A_15 = vector.extract_strided_slice %get3A_7 {offsets = [13, 0], sizes = [416, 128], strides = [1, 1]} : vector<429x128xf32> to vector<416x128xf32>
    %dot_general3A_16 = arith.constant dense<0.000000e+00> : vector<2048x128xf32>
    %dot_general3A_17 = tpu.matmul %get3A_1, %slice3A_15, %dot_general3A_16 {dimension_numbers = #tpu.dot_dimension_numbers<[1], [0], [0], [1], [0, 0, 1, 1], [], []>, precision = #tpu.contract_precision<fp32>, transpose_lhs_hint = false} : vector<2048x416xf32>, vector<416x128xf32>, vector<2048x128xf32> -> vector<2048x128xf32>
    %add3A_18 = vector.broadcast %add3A : vector<1x128xf32> to vector<2048x128xf32>
    %add3A_19 = arith.addf %dot_general3A_17, %add3A_18 : vector<2048x128xf32>
    %max3A = arith.constant 0.000000e+00 : f32
    %max3A_20 = vector.broadcast %max3A : f32 to vector<2048x128xf32>
    %max3A_21 = arith.maximumf %add3A_19, %max3A_20 : vector<2048x128xf32>
    %get3A_22 = arith.constant 0 : index
    %get3A_23 = arith.constant 0 : index
    %get3A_24 = vector.load %arg7[%get3A_22, %get3A_23] : memref<128x64xf32, #tpu.memory_space<vmem>>, vector<128x64xf32>
    %dot_general3A_25 = arith.constant dense<0.000000e+00> : vector<2048x64xf32>
    %dot_general3A_26 = tpu.matmul %max3A_21, %get3A_24, %dot_general3A_25 {dimension_numbers = #tpu.dot_dimension_numbers<[1], [0], [0], [1], [0, 0, 1, 1], [], []>, precision = #tpu.contract_precision<fp32>, transpose_lhs_hint = false} : vector<2048x128xf32>, vector<128x64xf32>, vector<2048x64xf32> -> vector<2048x64xf32>
    %get3A_27 = arith.constant 0 : index
    %get3A_28 = arith.constant 0 : index
    %get3A_29 = vector.load %arg8[%get3A_27, %get3A_28] : memref<1x64xf32, #tpu.memory_space<vmem>>, vector<1x64xf32>
    %add3A_30 = vector.broadcast %get3A_29 : vector<1x64xf32> to vector<2048x64xf32>
    %add3A_31 = arith.addf %dot_general3A_26, %add3A_30 : vector<2048x64xf32>
    %max3A_32 = arith.constant 0.000000e+00 : f32
    %max3A_33 = vector.broadcast %max3A_32 : f32 to vector<2048x64xf32>
    %max3A_34 = arith.maximumf %add3A_31, %max3A_33 : vector<2048x64xf32>
    %slice3A_35 = vector.extract_strided_slice %get3A_10 {offsets = [13, 0], sizes = [416, 1], strides = [1, 1]} : vector<429x1xf32> to vector<416x1xf32>
    %dot_general3A_36 = arith.constant dense<0.000000e+00> : vector<2048x1xf32>
    %dot_general3A_37 = tpu.matmul %get3A_1, %slice3A_35, %dot_general3A_36 {dimension_numbers = #tpu.dot_dimension_numbers<[1], [0], [0], [1], [0, 0, 1, 1], [], []>, precision = #tpu.contract_precision<fp32>, transpose_lhs_hint = false} : vector<2048x416xf32>, vector<416x1xf32>, vector<2048x1xf32> -> vector<2048x1xf32>
    %slice3A_38 = vector.extract_strided_slice %get3A_10 {offsets = [0, 0], sizes = [13, 1], strides = [1, 1]} : vector<429x1xf32> to vector<13x1xf32>
    %dot_general3A_39 = arith.constant dense<0.000000e+00> : vector<1x1xf32>
    %dot_general3A_40 = tpu.matmul %get3A_4, %slice3A_38, %dot_general3A_39 {dimension_numbers = #tpu.dot_dimension_numbers<[1], [0], [0], [1], [0, 0, 1, 1], [], []>, transpose_lhs_hint = false} : vector<1x13xf32>, vector<13x1xf32>, vector<1x1xf32> -> vector<1x1xf32>
    %add3A_41 = vector.broadcast %dot_general3A_40 : vector<1x1xf32> to vector<2048x1xf32>
    %add3A_42 = arith.addf %dot_general3A_37, %add3A_41 : vector<2048x1xf32>
    %get3A_43 = arith.constant 0 : index
    %get3A_44 = arith.constant 0 : index
    %get3A_45 = vector.load %arg4[%get3A_43, %get3A_44] : memref<1x1xf32, #tpu.memory_space<vmem>>, vector<1x1xf32>
    %add3A_46 = vector.broadcast %get3A_45 : vector<1x1xf32> to vector<2048x1xf32>
    %add3A_47 = arith.addf %add3A_42, %add3A_46 : vector<2048x1xf32>
    %get3A_48 = arith.constant 0 : index
    %get3A_49 = arith.constant 0 : index
    %get3A_50 = vector.load %arg11[%get3A_48, %get3A_49] : memref<416x16xf32, #tpu.memory_space<vmem>>, vector<416x16xf32>
    %dot_general3A_51 = arith.constant dense<0.000000e+00> : vector<2048x16xf32>
    %dot_general3A_52 = tpu.matmul %get3A_1, %get3A_50, %dot_general3A_51 {dimension_numbers = #tpu.dot_dimension_numbers<[1], [0], [0], [1], [0, 0, 1, 1], [], []>, precision = #tpu.contract_precision<fp32>, transpose_lhs_hint = false} : vector<2048x416xf32>, vector<416x16xf32>, vector<2048x16xf32> -> vector<2048x16xf32>
    %mul3A = arith.mulf %dot_general3A_52, %dot_general3A_52 : vector<2048x16xf32>
    %reduce_sum3A = arith.constant dense<0.000000e+00> : vector<2048xf32>
    %reduce_sum3A_53 = vector.multi_reduction <add>, %mul3A, %reduce_sum3A [1] : vector<2048x16xf32> to vector<2048xf32>
    %broadcast_in_dim3A = vector.shape_cast %reduce_sum3A_53 : vector<2048xf32> to vector<2048x1xf32>
    %mul3A_54 = arith.mulf %get3A_1, %get3A_1 : vector<2048x416xf32>
    %reduce_sum3A_55 = arith.constant dense<0.000000e+00> : vector<2048xf32>
    %reduce_sum3A_56 = vector.multi_reduction <add>, %mul3A_54, %reduce_sum3A_55 [1] : vector<2048x416xf32> to vector<2048xf32>
    %broadcast_in_dim3A_57 = vector.shape_cast %reduce_sum3A_56 : vector<2048xf32> to vector<2048x1xf32>
    %sub3A = arith.subf %broadcast_in_dim3A, %broadcast_in_dim3A_57 : vector<2048x1xf32>
    %mul3A_58 = arith.constant 5.000000e-01 : f32
    %mul3A_59 = vector.broadcast %mul3A_58 : f32 to vector<2048x1xf32>
    %mul3A_60 = arith.mulf %mul3A_59, %sub3A : vector<2048x1xf32>
    %get3A_61 = arith.constant 0 : index
    %get3A_62 = arith.constant 0 : index
    %get3A_63 = vector.load %arg9[%get3A_61, %get3A_62] : memref<64x1xf32, #tpu.memory_space<vmem>>, vector<64x1xf32>
    %add3A_64 = arith.addf %add3A_47, %mul3A_60 : vector<2048x1xf32>
    %reduce_sum3A_65 = vector.shape_cast %get3A_63 : vector<64x1xf32> to vector<1x64x1xf32>
    %reduce_sum3A_66 = arith.constant dense<0.000000e+00> : vector<1xf32>
    %reduce_sum3A_67 = vector.multi_reduction <add>, %reduce_sum3A_65, %reduce_sum3A_66 [1, 2] : vector<1x64x1xf32> to vector<1xf32>
    %reduce_sum3A_68 = vector.shape_cast %reduce_sum3A_67 : vector<1xf32> to vector<1x1x1xf32>
    %reduce_sum3A_69 = vector.extract %reduce_sum3A_68[0, 0, 0] : f32 from vector<1x1x1xf32>
    %mul3A_70 = vector.broadcast %reduce_sum3A_69 : f32 to vector<2048x1xf32>
    %mul3A_71 = arith.mulf %add3A_64, %mul3A_70 : vector<2048x1xf32>
    %dot_general3A_72 = arith.constant dense<0.000000e+00> : vector<2048x1xf32>
    %dot_general3A_73 = tpu.matmul %max3A_34, %get3A_63, %dot_general3A_72 {dimension_numbers = #tpu.dot_dimension_numbers<[1], [0], [0], [1], [0, 0, 1, 1], [], []>, precision = #tpu.contract_precision<fp32>, transpose_lhs_hint = false} : vector<2048x64xf32>, vector<64x1xf32>, vector<2048x1xf32> -> vector<2048x1xf32>
    %add3A_74 = arith.addf %mul3A_71, %dot_general3A_73 : vector<2048x1xf32>
    %get3A_75 = arith.constant 0 : index
    %get3A_76 = arith.constant 0 : index
    %get3A_77 = vector.load %arg10[%get3A_75, %get3A_76] : memref<1x1xf32, #tpu.memory_space<vmem>>, vector<1x1xf32>
    %add3A_78 = vector.broadcast %get3A_77 : vector<1x1xf32> to vector<2048x1xf32>
    %add3A_79 = arith.addf %add3A_74, %add3A_78 : vector<2048x1xf32>
    %logistic3A = arith.negf %add3A_79 : vector<2048x1xf32>
    %logistic3A_80 = math.exp %logistic3A : vector<2048x1xf32>
    %logistic3A_81 = arith.constant 1.000000e+00 : f32
    %logistic3A_82 = vector.broadcast %logistic3A_81 : f32 to vector<2048x1xf32>
    %logistic3A_83 = arith.addf %logistic3A_82, %logistic3A_80 : vector<2048x1xf32>
    %logistic3A_84 = arith.divf %logistic3A_82, %logistic3A_83 : vector<2048x1xf32>
    %swap3A = arith.constant 0 : index
    %swap3A_85 = arith.constant 0 : index
    %swap3A_86 = vector.load %arg12[%swap3A, %swap3A_85] : memref<2048x1xf32, #tpu.memory_space<vmem>>, vector<2048x1xf32>
    tpu.vector_store %arg12[%swap3A, %swap3A_85], %logistic3A_84 {strides = array<i32>} : memref<2048x1xf32, #tpu.memory_space<vmem>>, vector<2048x1xf32>,
    return
  }
  func.func @transform_0(%arg0: i32) -> (i32, i32) {
    %c0_i32 = arith.constant 0 : i32
    %c0_i32_0 = arith.constant 0 : i32
    return %arg0, %c0_i32 : i32, i32
  }
  func.func @transform_1(%arg0: i32) -> (i32, i32) {
    %c0_i32 = arith.constant 0 : i32
    %c0_i32_0 = arith.constant 0 : i32
    %c0_i32_1 = arith.constant 0 : i32
    return %c0_i32, %c0_i32_0 : i32, i32
  }
  func.func @transform_2(%arg0: i32) -> (i32, i32) {
    %c0_i32 = arith.constant 0 : i32
    %c0_i32_0 = arith.constant 0 : i32
    %c0_i32_1 = arith.constant 0 : i32
    return %c0_i32, %c0_i32_0 : i32, i32
  }
  func.func @transform_3(%arg0: i32) -> (i32, i32) {
    %c0_i32 = arith.constant 0 : i32
    %c0_i32_0 = arith.constant 0 : i32
    %c0_i32_1 = arith.constant 0 : i32
    return %c0_i32, %c0_i32_0 : i32, i32
  }
  func.func @transform_4(%arg0: i32) -> (i32, i32) {
    %c0_i32 = arith.constant 0 : i32
    %c0_i32_0 = arith.constant 0 : i32
    %c0_i32_1 = arith.constant 0 : i32
    return %c0_i32, %c0_i32_0 : i32, i32
  }
  func.func @transform_5(%arg0: i32) -> (i32, i32) {
    %c0_i32 = arith.constant 0 : i32
    %c0_i32_0 = arith.constant 0 : i32
    %c0_i32_1 = arith.constant 0 : i32
    return %c0_i32, %c0_i32_0 : i32, i32
  }
  func.func @transform_6(%arg0: i32) -> (i32, i32) {
    %c0_i32 = arith.constant 0 : i32
    %c0_i32_0 = arith.constant 0 : i32
    %c0_i32_1 = arith.constant 0 : i32
    return %c0_i32, %c0_i32_0 : i32, i32
  }
  func.func @transform_7(%arg0: i32) -> (i32, i32) {
    %c0_i32 = arith.constant 0 : i32
    %c0_i32_0 = arith.constant 0 : i32
    %c0_i32_1 = arith.constant 0 : i32
    return %c0_i32, %c0_i32_0 : i32, i32
  }
  func.func @transform_8(%arg0: i32) -> (i32, i32) {
    %c0_i32 = arith.constant 0 : i32
    %c0_i32_0 = arith.constant 0 : i32
    %c0_i32_1 = arith.constant 0 : i32
    return %c0_i32, %c0_i32_0 : i32, i32
  }
  func.func @transform_9(%arg0: i32) -> (i32, i32) {
    %c0_i32 = arith.constant 0 : i32
    %c0_i32_0 = arith.constant 0 : i32
    %c0_i32_1 = arith.constant 0 : i32
    return %c0_i32, %c0_i32_0 : i32, i32
  }
  func.func @transform_10(%arg0: i32) -> (i32, i32) {
    %c0_i32 = arith.constant 0 : i32
    %c0_i32_0 = arith.constant 0 : i32
    %c0_i32_1 = arith.constant 0 : i32
    return %c0_i32, %c0_i32_0 : i32, i32
  }
  func.func @transform_11(%arg0: i32) -> (i32, i32) {
    %c0_i32 = arith.constant 0 : i32
    %c0_i32_0 = arith.constant 0 : i32
    return %arg0, %c0_i32 : i32, i32
  }
}

</mosaic_0001>

<sc_bundles>
// kernel: kernel.4.cloned.1.call-start
scs
__scs_entry_jumppad:
0x0: {  	(pc) =	sbr.rel $0x88, $3  }
0x1: {  	(tag) =	ssettag $0x0;
	lr =	simm.s32 $0x1  }
0x2: {  	[smem:$0x3F7D] =	sst lr;
	_ =	strace $0xD0000000  }
0x3: {  	_ = 	snop  }
0x4: {  	_ = 	snop  }
0x5: {  	_ = 	snop  }
0x6: {  	_ = 	snop  }
0x7: {  	_ = 	snop  }
__scs_overlays_trampoline_lowered:
0x8: {  	[smem:$0x3F8C] =	sst s0  }
0x9: {  	[smem:$0x3F8D] =	sst s1  }
0xa: {  	[smem:$0x3F8E] =	sst s2  }
0xb: {  	[smem:$0x3F8F] =	sst s3  }
0xc: {  	[smem:$0x3F90] =	sst s4  }
0xd: {  	[smem:$0x3F91] =	sst s5  }
0xe: {  	[smem:$0x3F92] =	sst s6  }
0xf: {  	[smem:$0x3F93] =	sst s7  }
0x10: {  	[smem:$0x3F94] =	sst s8  }
0x11: {  	[smem:$0x3F95] =	sst s9;
	s0 =	simm.s32 @!p0 $0x0  }
0x12: {  	s1 =	sld [smem:$0x3F7B];
	s0 =	simm.s32 @p0 $0x1  }
0x13: {  	[smem:$0x3F96] =	sst s0;
	s0 =	simm.s32 @!p1 $0x0  }
0x14: {  	s2 =	sld [smem:$0x3F7A];
	s0 =	simm.s32 @p1 $0x1  }
0x15: {  	[smem:$0x3F97] =	sst s0;
	s0 =	simm.s32 @!p2 $0x0  }
0x16: {  	s3 =	sld [smem:$0x3FDB];
	s0 =	simm.s32 @p2 $0x1  }
0x17: {  	s4 =	simm.s32 $0x1BF5;
	[smem:$0x3F99] =	sst s0  }
0x18: {  	s0 =	sld [smem:$0x3F7C];
	_ =	swait.ge [sflag:s4], $0x0  }
0x19: {  	s7 =	sld [smem:$0x3F7D]  }
0x1a: {  	s8 =	sadd.s32 $0xFFFFE003, lr  }
0x1b: {  	s9 =	sadd.s32 $0xFFFFFEF7, lr;
	s5 =	simm.s32 $0xFFFFFFFF;
	p2 =	slt.u32 s8, $0xFFFFF086  }
0x1c: {  	p1 =	slt.u32 s9, $0xF7A;
	s5 =	simm.s32 @!p2 $0x0  }
0x1d: {  	s5 =	simm.s32 @p1 $0x1;
	p0 =	seq.s32 s7, s2  }
0x1e: {  	s7 =	smul.u32 @!p0 $0xF7A, s2;
	p2 =	seq.s32 @!p0 s5, $0x0  }
0x1f: {  	s9 =	smul.u32 $0xF7A, s1;
	s8 =	simm.s32 @!p0 $0x1BF5;
	p2 =	por !p2, p0  }
0x20: {  	[sflag:s8] =	ssyncset.s32 @!p0 $0xFFFFF086;
	s6 =	sadd.s32 @!p0 s3, s7;
	s7 =	simm.s32 @!p0 $0x108  }
0x21: {  	s3 =	sadd.s32 s3, s9;
	s6 =	sadd.s32 @!p0 $0x88, s6;
	s7 =	simm.s32 @p2 $0x1082  }
0x22: {  	[simem:s7], [sflag:s8] =	dma.local @!p0 [hbm:s6], $0xF7A  }
0x23: {  	s9 =	sor.u32 $0xD0000000, s2;
	s6 =	simm.s32 $0x108;
	_ =	swait.ge @!p0 [sflag:s8], $0x0  }
0x24: {  	s3 =	sadd.s32 $0x88, s3;
	s6 =	simm.s32 @!p1 $0x1082;
	[sflag:s4] =	ssyncset.s32 $0xFFFFF086  }
0x25: {  	[simem:s6], [sflag:s4] =	dma.local [hbm:s3], $0xF7A  }
0x26: {  	[smem:$0x3F7D] =	sst s1;
	(tag) =	ssettag s2;
	_ =	strace s9  }
0x27: {  	s1 =	sld [smem:$0x3F8D]  }
0x28: {  	s2 =	sld [smem:$0x3F8E]  }
0x29: {  	s4 =	sld [smem:$0x3F90]  }
0x2a: {  	p0 =	seq.s32 s5, $0x0;
	s5 =	sld [smem:$0x3F91]  }
0x2b: {  	s6 =	sld [smem:$0x3F92]  }
0x2c: {  	s7 =	sld [smem:$0x3F93]  }
0x2d: {  	s3 =	simm.s32 $0x108;
	s8 =	sld [smem:$0x3F94]  }
0x2e: {  	s3 =	simm.s32 @!p0 $0x1082;
	s9 =	sld [smem:$0x3F95]  }
0x2f: {  	lr =	sadd.s32 s0, s3;
	s0 =	sld [smem:$0x3F8C]  }
0x30: {  	s3 =	sld [smem:$0x3F8F]  }
0x31: {  	[smem:$0x3F98] =	sst s10  }
0x32: {  	s10 =	sld [smem:$0x3F96];
	_ =	sdelay $0x3  }
0x33: {  	p0 =	seq.s32 s10, $0x1;
	s10 =	sld [smem:$0x3F98];
	_ =	sdelay $0x3  }
0x34: {  	[smem:$0x3F98] =	sst s10  }
0x35: {  	s10 =	sld [smem:$0x3F97];
	_ =	sdelay $0x3  }
0x36: {  	p1 =	seq.s32 s10, $0x1;
	s10 =	sld [smem:$0x3F98];
	_ =	sdelay $0x3  }
0x37: {  	[smem:$0x3F98] =	sst s10  }
0x38: {  	s10 =	sld [smem:$0x3F99]  }
0x39: {  	_ = 	snop;
	(pc) =	sbr.ind lr, $3  }
0x3a: {  	_ = 	snop  }
0x3b: {  	_ = 	snop  }
0x3c: {  	p2 =	seq.s32 s10, $0x1;
	s10 =	sld [smem:$0x3F98]  }
0x3d: {  	_ =	shalt  }
0x3e: {  	_ =	shalt  }
0x3f: {  	_ =	shalt  }
0x40: {  	_ =	shalt  }
0x41: {  	_ =	shalt  }
0x42: {  	_ =	shalt  }
0x43: {  	_ =	shalt  }
0x44: {  	_ =	shalt  }
0x45: {  	_ =	shalt  }
0x46: {  	_ =	shalt  }
0x47: {  	_ =	shalt  }
0x48: {  	_ =	shalt  }
0x49: {  	_ =	shalt  }
0x4a: {  	_ =	shalt  }
0x4b: {  	_ =	shalt  }
0x4c: {  	_ =	shalt  }
0x4d: {  	_ =	shalt  }
0x4e: {  	_ =	shalt  }
0x4f: {  	_ =	shalt  }
0x50: {  	_ =	shalt  }
0x51: {  	_ =	shalt  }
0x52: {  	_ =	shalt  }
0x53: {  	_ =	shalt  }
0x54: {  	_ =	shalt  }
0x55: {  	_ =	shalt  }
0x56: {  	_ =	shalt  }
0x57: {  	_ =	shalt  }
0x58: {  	_ =	shalt  }
0x59: {  	_ =	shalt  }
0x5a: {  	_ =	shalt  }
0x5b: {  	_ =	shalt  }
0x5c: {  	_ =	shalt  }
0x5d: {  	_ =	shalt  }
0x5e: {  	_ =	shalt  }
0x5f: {  	_ =	shalt  }
0x60: {  	_ =	shalt  }
0x61: {  	_ =	shalt  }
0x62: {  	_ =	shalt  }
0x63: {  	_ =	shalt  }
0x64: {  	_ =	shalt  }
0x65: {  	_ =	shalt  }
0x66: {  	_ =	shalt  }
0x67: {  	_ =	shalt  }
0x68: {  	_ =	shalt  }
0x69: {  	_ =	shalt  }
0x6a: {  	_ =	shalt  }
0x6b: {  	_ =	shalt  }
0x6c: {  	_ =	shalt  }
0x6d: {  	_ =	shalt  }
0x6e: {  	_ =	shalt  }
0x6f: {  	_ =	shalt  }
0x70: {  	_ =	shalt  }
0x71: {  	_ =	shalt  }
0x72: {  	_ =	shalt  }
0x73: {  	_ =	shalt  }
0x74: {  	_ =	shalt  }
0x75: {  	_ =	shalt  }
0x76: {  	_ =	shalt  }
0x77: {  	_ =	shalt  }
0x78: {  	_ =	shalt  }
0x79: {  	_ =	shalt  }
0x7a: {  	_ =	shalt  }
0x7b: {  	_ =	shalt  }
0x7c: {  	_ =	shalt  }
0x7d: {  	_ =	shalt  }
0x7e: {  	_ =	shalt  }
0x7f: {  	_ =	shalt  }
0x80: {  	_ =	shalt  }
0x81: {  	_ =	shalt  }
0x82: {  	_ =	shalt  }
0x83: {  	_ =	shalt  }
0x84: {  	_ =	shalt  }
0x85: {  	_ =	shalt  }
0x86: {  	_ =	shalt  }
0x87: {  	_ =	shalt  }
.Lfunc_end0:
.L_simem_size_0:
called_computation_lowered:
.L_overlay_start_0:
0x88: {  	s2 =	sld [smem:$0x3FD9]  }
0x89: {  	s3 =	sld [smem:$0x3FFE];
	_ =	sdelay $0x1  }
0x8a: {  	s1 =	srdreg.scid  }
0x8b: {  	s0 =	sand.u32 $0x1, s1  }
0x8c: {  	s16 =	sshll.u32 s0, $0xA;
	s2 =	sadd.s32 s3, s2  }
0x8d: {  	s2 =	sadd.s32 s2, s16  }
0x8e: {  	[smem:$0x3FA4] =	sst s2  }
0x8f: {  	_ = 	snop  }
0x90: {  	(tm) =	ssettm $0x1  }
0x91: {  	s17 =	sld [smem:$0x3FFB];
	_ =	sdelay $0x3  }
0x92: {  	_ =	strace s17  }
0x93: {  	s2 =	sld [smem:$0x3FFC];
	_ =	sdelay $0x3  }
0x94: {  	_ =	strace s2  }
0x95: {  	s2 =	sld [smem:$0x3FFD];
	_ =	sdelay $0x3  }
0x96: {  	_ =	strace s2  }
0x97: {  	_ =	strace $0x8FFFFFFF  }
0x98: {  	s18 =	sld [smem:$0x3FDB];
	_ =	sdelay $0x1  }
0x99: {  	s19 =	simm.s32 $_scs_section_size  }
0x9a: {  	s4 =	simm.s32 $_size__tile_overlayer_lowered;
	s5 =	simm.s32 $_tile_overlayer_lowered  }
0x9b: {  	s22 =	simm.s32 $0x1BFF;
	s21 =	sshll.u32 s5, $0x1;
	s2 =	sadd.s32 s19, s18  }
0x9c: {  	s6 =	simm.s32 $0x0;
	s20 =	sshll.u32 s4, $0x1;
	s4 =	sadd.s32 s21, s2  }
0x9d: {  	[timem:s6], [sflag:s22] =	dma.local [hbm:s4], s20  }
0x9e: {  	_ =	swait.ge [sflag:s22], s20  }
0x9f: {  	s3 =	ssub.s32 $0x0, s20;
	[sflag:s22] =	ssyncset.done $0x0  }
0xa0: {  	[sflag:s22] =	ssyncadd.s32 s3;
	_ =	sdelay $0x1  }
0xa1: {  	s23 =	simm.s32 $0x1B8B  }
0xa2: {  	_ =	swait.ge [sflag:s23], $0x1  }
0xa3: {  	[sflag:s23] =	ssyncset.done $0x0  }
0xa4: {  	s25 =	simm.s32 $0x1B8E;
	s24 =	sld [smem:$0x3FFE];
	[sflag:s23] =	ssyncadd.s32 $0xFFFFFFFF  }
0xa5: {  	s26 =	simm.s32 $execute0_lowered;
	[smem:$0x3FD2] =	sst s25  }
0xa6: {  	s4 =	sshll.u32 s26, $0x1;
	_ =	strace $0x80000046;
	[dreg:$0x1] =	wrdreg $0xFFFFFFFF  }
0xa7: {  	s28 =	simm.s32 $_size_execute0_lowered;
	s2 =	sadd.s32 s2, s4;
	[dreg:$0x0] =	wrdreg $0x0  }
0xa8: {  	s4 =	sshll.u32 s28, $0x1;
	[dreg:$0x2] =	wrdreg s2  }
0xa9: {  	[dreg:$0x3] =	wrdreg s4  }
0xaa: {  	[dreg:$0x4] =	wrdreg $0xC0  }
0xab: {  	_ =	task [dreg:s6], $0x5FFFF  }
0xac: {  	[dreg:$0x1] =	wrdreg $0xFFFFFFFF  }
0xad: {  	[dreg:$0x0] =	wrdreg $0x60  }
0xae: {  	[dreg:$0x2] =	wrdreg s24  }
0xaf: {  	[dreg:$0x3] =	wrdreg $0x9  }
0xb0: {  	_ =	task.clear_ibuf [dreg:s6], $0x4FFFF;
	_ =	strace $0x90000046  }
0xb1: {  	s29 =	simm.s32 $0x9;
	_ =	strace $0x80000048  }
0xb2: {  	_ =	swait.ge [sflag:s29], $0x1  }
0xb3: {  	[sflag:s29] =	ssyncadd.s32 $0xFFFFFFFF  }
0xb4: {  	_ =	strace $0x90000048  }
0xb5: {  	_ =	sfence  }
0xb6: {  	s30 =	sld [smem:$0x0];
	_ =	sdelay $0x2  }
0xb7: {  	s31 =	sshll.u32 s1, $0xD;
	s1 =	sshrl.u32 s1, $0x2  }
0xb8: {  	s3 =	sand.u32 $0x4000, s31;
	s1 =	sadd.s32 s1, s30  }
0xb9: {  	s0 =	sor.u32 s3, s0;
	s1 =	sshll.u32 s1, $0x11  }
0xba: {  	s0 =	sor.u32 s1, s0  }
0xbb: {  	s0 =	sadd.s32 $0x8F2B, s0  }
0xbc: {  	[sflag:s0] =	ssyncadd.remote.s32 $0x1  }
0xbd: {  	_ =	sfence.sel $0xFFFF  }
0xbe: {  	[dreg:$0x0] =	wrdreg $0xFFFFFFFF;
	(pc) =	sbr.abs _section_cstart, $3  }
0xbf: {  	[dreg:$0x1] =	wrdreg $0xFFFFFFFF  }
0xc0: {  	_ =	task.clear_ibuf [dreg:s6], $0x2FFFF;
	_ =	strace $0x9FFFFFFF  }
0xc1: {  	(tm) =	ssettm $0x7FFFFFFF  }
tec
execute0_lowered:
.L_overlay_start_1:
0x0: {  	(tag) =	ssettag $0x1  }
0x1: {  	s4 =	rddreg [dreg:$0x0];
	s2 =	simm.s32 $0x0  }
0x2: {  	s21 =	simm.s32 $0x1500;
	[smem:$0x7FF] =	sst s2  }
0x3: {  	s22 =	simm.s32 $0x100;
	_ =	strace $0x80000047;
	[dreg:$0x3] =	wrdreg s21  }
0x4: {  	s23 =	simm.s32 $0x1D00;
	[dreg:$0x4] =	wrdreg s22  }
0x5: {  	s24 =	simm.s32 $0x180;
	[dreg:$0x5] =	wrdreg s23  }
0x6: {  	s25 =	simm.s32 $0x2500;
	[dreg:$0x6] =	wrdreg s24  }
0x7: {  	s26 =	simm.s32 $0x200;
	[dreg:$0x7] =	wrdreg s25  }
0x8: {  	s31 =	simm.s32 $0x2D00;
	[dreg:$0x8] =	wrdreg s26  }
0x9: {  	s6 =	simm.s32 $0x3500;
	[dreg:$0x9] =	wrdreg s31  }
0xa: {  	s7 =	simm.s32 $0x300;
	[dreg:$0xb] =	wrdreg s6  }
0xb: {  	s8 =	simm.s32 $0x3D00;
	[dreg:$0xc] =	wrdreg s7  }
0xc: {  	s9 =	simm.s32 $0x380;
	[dreg:$0xd] =	wrdreg s8  }
0xd: {  	s10 =	simm.s32 $0x4500;
	[dreg:$0xe] =	wrdreg s9  }
0xe: {  	s5 =	stileid.u32;
	s11 =	simm.s32 $0x400;
	[dreg:$0xf] =	wrdreg s10  }
0xf: {  	s0 =	srdreg.scid;
	s12 =	simm.s32 $0x4D00;
	[dreg:$0x10] =	wrdreg s11  }
0x10: {  	s13 =	simm.s32 $0x480;
	s14 =	simm.s32 $0x5500;
	[dreg:$0x11] =	wrdreg s12  }
0x11: {  	s15 =	simm.s32 $0x500;
	s16 =	simm.s32 $0x5D00;
	[dreg:$0x12] =	wrdreg s13  }
0x12: {  	s17 =	simm.s32 $0x580;
	s19 =	simm.s32 $0x6500;
	[dreg:$0x13] =	wrdreg s14  }
0x13: {  	s20 =	simm.s32 $0x600;
	s28 =	simm.s32 $0xC80;
	[dreg:$0x14] =	wrdreg s15  }
0x14: {  	s29 =	simm.s32 $0xD500;
	s1 =	smul.u32 $0xD00, s5;
	[dreg:$0x15] =	wrdreg s16  }
0x15: {  	s0 =	sand.u32 $0x1, s0;
	s5 =	smul.u32 $0xD000, s5;
	[dreg:$0x16] =	wrdreg s17  }
0x16: {  	s30 =	simm.s32 $0x1;
	s3 =	smul.u32 $0x680, s0;
	[dreg:$0x17] =	wrdreg s19  }
0x17: {  	s18 =	ssub.s32 $0x2, s0;
	[dreg:$0x18] =	wrdreg s20;
	s21 =	simm.s32 $0x6D00  }
0x18: {  	s0 =	smul.u32 $0x6800, s0;
	s22 =	simm.s32 $0x680;
	s23 =	simm.s32 $0x7500  }
0x19: {  	s24 =	simm.s32 $0x700;
	s25 =	simm.s32 $0x7D00;
	s26 =	simm.s32 $0x780  }
0x1a: {  	s7 =	simm.s32 $0x80;
	s31 =	simm.s32 $0x8500;
	s8 =	simm.s32 $0xD00  }
0x1b: {  	s9 =	simm.s32 $0x800;
	s10 =	simm.s32 $0x8D00;
	[dreg:$0x19] =	wrdreg s21  }
0x1c: {  	s11 =	simm.s32 $0x880;
	s12 =	simm.s32 $0x9500;
	[dreg:$0x1a] =	wrdreg s22  }
0x1d: {  	s13 =	simm.s32 $0x900;
	s14 =	simm.s32 $0x9D00;
	[dreg:$0x1b] =	wrdreg s23  }
0x1e: {  	s15 =	simm.s32 $0x980;
	s16 =	simm.s32 $0xA500;
	[dreg:$0x1c] =	wrdreg s24  }
0x1f: {  	s17 =	simm.s32 $0xA00;
	s19 =	simm.s32 $0xA80;
	[dreg:$0x1d] =	wrdreg s25  }
0x20: {  	s20 =	simm.s32 $0xB500;
	s1 =	sadd.s32 s1, s4;
	[dreg:$0x1e] =	wrdreg s26  }
0x21: {  	s6 =	sshrl.u32 s18, $0x1;
	[dreg:$0x1f] =	wrdreg s31;
	s21 =	simm.s32 $0xB00  }
0x22: {  	s22 =	simm.s32 $0xBD00;
	s23 =	simm.s32 $0xB80;
	s24 =	simm.s32 $0xC500  }
0x23: {  	s25 =	simm.s32 $0xC00;
	s1 =	sadd.s32 s3, s1;
	s3 =	simm.s32 $0x280  }
0x24: {  	s26 =	simm.s32 $0xCD00;
	s1 =	sadd.s32 $0x4800, s1;
	[dreg:$0xa] =	wrdreg s3  }
0x25: {  	s3 =	sadd.s32 $0x27B0C00, s4;
	s4 =	sadd.s32 s5, s4;
	s5 =	ssub.s32 s18, s6  }
0x26: {  	[dreg:$0x2] =	wrdreg s1;
	s5 =	smax.u32 s5, $0x1;
	s0 =	sadd.s32 s0, s4  }
0x27: {  	s6 =	simm.s32 $0x2;
	[smem:$0x7FC] =	sst s5;
	s0 =	sadd.s32 $0x11800, s0  }
0x28: {  	s18 =	simm.s32 $0xAD00;
	s1 =	simm.s32 $0x0;
	[smem:$0x7FD] =	sst s0  }
.LBB2_1:
0x29: {  	s0 =	rddreg [dreg:$0x2]  }
0x2a: {  	[smem:$0x7FB] =	sst s1;
	s0 =	sadd.s32 $0x0, s0  }
0x2b: {  	[tilespmem:s2], [sflag:$0x2] =	stream.linear.gather [hbm4b:s0+s2], $0xD00, $0x38;
	[tilespmem:$0xDD00] =	vst v63  }
0x2c: {  	_ =	swait.ge [sflag:s6], $0xD00  }
0x2d: {  	s0 =	rddreg [dreg:$0x4]  }
0x2e: {  	[sflag:s6] =	ssyncset.done $0x0;
	s31 =	rddreg [dreg:$0x3]  }
0x2f: {  	s4 =	rddreg [dreg:$0x5];
	[sflag:s6] =	ssyncadd.s32 $0xFFFFF300  }
0x30: {  	[tilespmem:s8], [sflag:$0x1] =	stream.indirect.gather [hbm4b:s3+s7], $0x10, s2, s7, $0xb8;
	[tilespmem:$0xDD00] =	vst v63  }
0x31: {  	s5 =	rddreg [dreg:$0x7]  }
0x32: {  	[tilespmem:s31], [sflag:$0x1] =	stream.indirect.gather [hbm4b:s3+s7], $0x10, s7, s7, $0xb8;
	[tilespmem:$0xDD00] =	vst v63  }
0x33: {  	s31 =	rddreg [dreg:$0x6]  }
0x34: {  	[tilespmem:s4], [sflag:$0x1] =	stream.indirect.gather [hbm4b:s3+s7], $0x10, s0, s7, $0xb8;
	[tilespmem:$0xDD00] =	vst v63  }
0x35: {  	s0 =	rddreg [dreg:$0x9]  }
0x36: {  	s4 =	rddreg [dreg:$0x8]  }
0x37: {  	[tilespmem:s5], [sflag:$0x1] =	stream.indirect.gather [hbm4b:s3+s7], $0x10, s31, s7, $0xb8;
	[tilespmem:$0xDD00] =	vst v63  }
0x38: {  	s5 =	rddreg [dreg:$0xb]  }
0x39: {  	s31 =	rddreg [dreg:$0xa]  }
0x3a: {  	[tilespmem:s0], [sflag:$0x1] =	stream.indirect.gather [hbm4b:s3+s7], $0x10, s4, s7, $0xb8;
	[tilespmem:$0xDD00] =	vst v63  }
0x3b: {  	s0 =	rddreg [dreg:$0xd]  }
0x3c: {  	s4 =	rddreg [dreg:$0xc]  }
0x3d: {  	[tilespmem:s5], [sflag:$0x1] =	stream.indirect.gather [hbm4b:s3+s7], $0x10, s31, s7, $0xb8;
	[tilespmem:$0xDD00] =	vst v63  }
0x3e: {  	s5 =	rddreg [dreg:$0xf]  }
0x3f: {  	s31 =	rddreg [dreg:$0xe]  }
0x40: {  	[tilespmem:s0], [sflag:$0x1] =	stream.indirect.gather [hbm4b:s3+s7], $0x10, s4, s7, $0xb8;
	[tilespmem:$0xDD00] =	vst v63  }
0x41: {  	s0 =	rddreg [dreg:$0x11]  }
0x42: {  	s4 =	rddreg [dreg:$0x10]  }
0x43: {  	[tilespmem:s5], [sflag:$0x1] =	stream.indirect.gather [hbm4b:s3+s7], $0x10, s31, s7, $0xb8;
	[tilespmem:$0xDD00] =	vst v63  }
0x44: {  	s5 =	rddreg [dreg:$0x13]  }
0x45: {  	s31 =	rddreg [dreg:$0x12]  }
0x46: {  	[tilespmem:s0], [sflag:$0x1] =	stream.indirect.gather [hbm4b:s3+s7], $0x10, s4, s7, $0xb8;
	[tilespmem:$0xDD00] =	vst v63  }
0x47: {  	s0 =	rddreg [dreg:$0x15]  }
0x48: {  	s4 =	rddreg [dreg:$0x14]  }
0x49: {  	[tilespmem:s5], [sflag:$0x1] =	stream.indirect.gather [hbm4b:s3+s7], $0x10, s31, s7, $0xb8;
	[tilespmem:$0xDD00] =	vst v63  }
0x4a: {  	s5 =	rddreg [dreg:$0x17]  }
0x4b: {  	s31 =	rddreg [dreg:$0x16]  }
0x4c: {  	[tilespmem:s0], [sflag:$0x1] =	stream.indirect.gather [hbm4b:s3+s7], $0x10, s4, s7, $0xb8;
	[tilespmem:$0xDD00] =	vst v63  }
0x4d: {  	s0 =	rddreg [dreg:$0x19]  }
0x4e: {  	s4 =	rddreg [dreg:$0x18]  }
0x4f: {  	[tilespmem:s5], [sflag:$0x1] =	stream.indirect.gather [hbm4b:s3+s7], $0x10, s31, s7, $0xb8;
	[tilespmem:$0xDD00] =	vst v63  }
0x50: {  	s5 =	rddreg [dreg:$0x1b]  }
0x51: {  	s31 =	rddreg [dreg:$0x1a]  }
0x52: {  	[tilespmem:s0], [sflag:$0x1] =	stream.indirect.gather [hbm4b:s3+s7], $0x10, s4, s7, $0xb8;
	[tilespmem:$0xDD00] =	vst v63  }
0x53: {  	s0 =	rddreg [dreg:$0x1d]  }
0x54: {  	s4 =	rddreg [dreg:$0x1c]  }
0x55: {  	[tilespmem:s5], [sflag:$0x1] =	stream.indirect.gather [hbm4b:s3+s7], $0x10, s31, s7, $0xb8;
	[tilespmem:$0xDD00] =	vst v63  }
0x56: {  	s5 =	rddreg [dreg:$0x1f]  }
0x57: {  	[tilespmem:s0], [sflag:$0x1] =	stream.indirect.gather [hbm4b:s3+s7], $0x10, s4, s7, $0xb8;
	[tilespmem:$0xDD00] =	vst v63  }
0x58: {  	s31 =	rddreg [dreg:$0x1e]  }
0x59: {  	[tilespmem:s5], [sflag:$0x1] =	stream.indirect.gather [hbm4b:s3+s7], $0x10, s31, s7, $0xb8;
	[tilespmem:$0xDD00] =	vst v63  }
0x5a: {  	_ = 	snop  }
0x5b: {  	[tilespmem:s10], [sflag:$0x1] =	stream.indirect.gather [hbm4b:s3+s7], $0x10, s9, s7, $0xb8;
	[tilespmem:$0xDD00] =	vst v63  }
0x5c: {  	_ = 	snop  }
0x5d: {  	[tilespmem:s12], [sflag:$0x1] =	stream.indirect.gather [hbm4b:s3+s7], $0x10, s11, s7, $0xb8;
	[tilespmem:$0xDD00] =	vst v63  }
0x5e: {  	_ = 	snop  }
0x5f: {  	[tilespmem:s14], [sflag:$0x1] =	stream.indirect.gather [hbm4b:s3+s7], $0x10, s13, s7, $0xb8;
	[tilespmem:$0xDD00] =	vst v63  }
0x60: {  	_ = 	snop  }
0x61: {  	[tilespmem:s16], [sflag:$0x1] =	stream.indirect.gather [hbm4b:s3+s7], $0x10, s15, s7, $0xb8;
	[tilespmem:$0xDD00] =	vst v63  }
0x62: {  	_ = 	snop  }
0x63: {  	[tilespmem:s18], [sflag:$0x1] =	stream.indirect.gather [hbm4b:s3+s7], $0x10, s17, s7, $0xb8;
	[tilespmem:$0xDD00] =	vst v63  }
0x64: {  	_ = 	snop  }
0x65: {  	[tilespmem:s20], [sflag:$0x1] =	stream.indirect.gather [hbm4b:s3+s7], $0x10, s19, s7, $0xb8;
	[tilespmem:$0xDD00] =	vst v63  }
0x66: {  	_ = 	snop  }
0x67: {  	[tilespmem:s22], [sflag:$0x1] =	stream.indirect.gather [hbm4b:s3+s7], $0x10, s21, s7, $0xb8;
	[tilespmem:$0xDD00] =	vst v63  }
0x68: {  	_ = 	snop  }
0x69: {  	[tilespmem:s24], [sflag:$0x1] =	stream.indirect.gather [hbm4b:s3+s7], $0x10, s23, s7, $0xb8;
	[tilespmem:$0xDD00] =	vst v63  }
0x6a: {  	_ = 	snop  }
0x6b: {  	[tilespmem:s26], [sflag:$0x1] =	stream.indirect.gather [hbm4b:s3+s7], $0x10, s25, s7, $0xb8;
	[tilespmem:$0xDD00] =	vst v63  }
0x6c: {  	_ = 	snop  }
0x6d: {  	[tilespmem:s29], [sflag:$0x1] =	stream.indirect.gather [hbm4b:s3+s7], $0x10, s28, s7, $0xb8;
	[tilespmem:$0xDD00] =	vst v63  }
0x6e: {  	_ =	swait.ge [sflag:s30], $0x800  }
0x6f: {  	[sflag:s30] =	ssyncset.done $0x0  }
0x70: {  	[sflag:s30] =	ssyncadd.s32 $0xFFFFF800  }
0x71: {  	_ =	swait.ge [sflag:s30], $0x800  }
0x72: {  	[sflag:s30] =	ssyncset.done $0x0  }
0x73: {  	[sflag:s30] =	ssyncadd.s32 $0xFFFFF800  }
0x74: {  	_ =	swait.ge [sflag:s30], $0x800  }
0x75: {  	[sflag:s30] =	ssyncset.done $0x0  }
0x76: {  	[sflag:s30] =	ssyncadd.s32 $0xFFFFF800  }
0x77: {  	_ =	swait.ge [sflag:s30], $0x800  }
0x78: {  	[sflag:s30] =	ssyncset.done $0x0  }
0x79: {  	[sflag:s30] =	ssyncadd.s32 $0xFFFFF800  }
0x7a: {  	_ =	swait.ge [sflag:s30], $0x800  }
0x7b: {  	[sflag:s30] =	ssyncset.done $0x0  }
0x7c: {  	[sflag:s30] =	ssyncadd.s32 $0xFFFFF800  }
0x7d: {  	_ =	swait.ge [sflag:s30], $0x800  }
0x7e: {  	[sflag:s30] =	ssyncset.done $0x0  }
0x7f: {  	[sflag:s30] =	ssyncadd.s32 $0xFFFFF800  }
0x80: {  	_ =	swait.ge [sflag:s30], $0x800  }
0x81: {  	[sflag:s30] =	ssyncset.done $0x0  }
0x82: {  	[sflag:s30] =	ssyncadd.s32 $0xFFFFF800  }
0x83: {  	_ =	swait.ge [sflag:s30], $0x800  }
0x84: {  	[sflag:s30] =	ssyncset.done $0x0  }
0x85: {  	[sflag:s30] =	ssyncadd.s32 $0xFFFFF800  }
0x86: {  	_ =	swait.ge [sflag:s30], $0x800  }
0x87: {  	[sflag:s30] =	ssyncset.done $0x0  }
0x88: {  	[sflag:s30] =	ssyncadd.s32 $0xFFFFF800  }
0x89: {  	_ =	swait.ge [sflag:s30], $0x800  }
0x8a: {  	[sflag:s30] =	ssyncset.done $0x0  }
0x8b: {  	[sflag:s30] =	ssyncadd.s32 $0xFFFFF800  }
0x8c: {  	_ =	swait.ge [sflag:s30], $0x800  }
0x8d: {  	[sflag:s30] =	ssyncset.done $0x0  }
0x8e: {  	[sflag:s30] =	ssyncadd.s32 $0xFFFFF800  }
0x8f: {  	_ =	swait.ge [sflag:s30], $0x800  }
0x90: {  	[sflag:s30] =	ssyncset.done $0x0  }
0x91: {  	[sflag:s30] =	ssyncadd.s32 $0xFFFFF800  }
0x92: {  	_ =	swait.ge [sflag:s30], $0x800  }
0x93: {  	[sflag:s30] =	ssyncset.done $0x0  }
0x94: {  	[sflag:s30] =	ssyncadd.s32 $0xFFFFF800  }
0x95: {  	_ =	swait.ge [sflag:s30], $0x800  }
0x96: {  	[sflag:s30] =	ssyncset.done $0x0  }
0x97: {  	[sflag:s30] =	ssyncadd.s32 $0xFFFFF800  }
0x98: {  	_ =	swait.ge [sflag:s30], $0x800  }
0x99: {  	[sflag:s30] =	ssyncset.done $0x0  }
0x9a: {  	[sflag:s30] =	ssyncadd.s32 $0xFFFFF800  }
0x9b: {  	_ =	swait.ge [sflag:s30], $0x800  }
0x9c: {  	[sflag:s30] =	ssyncset.done $0x0  }
0x9d: {  	[sflag:s30] =	ssyncadd.s32 $0xFFFFF800  }
0x9e: {  	_ =	swait.ge [sflag:s30], $0x800  }
0x9f: {  	[sflag:s30] =	ssyncset.done $0x0  }
0xa0: {  	[sflag:s30] =	ssyncadd.s32 $0xFFFFF800  }
0xa1: {  	_ =	swait.ge [sflag:s30], $0x800  }
0xa2: {  	[sflag:s30] =	ssyncset.done $0x0  }
0xa3: {  	[sflag:s30] =	ssyncadd.s32 $0xFFFFF800  }
0xa4: {  	_ =	swait.ge [sflag:s30], $0x800  }
0xa5: {  	[sflag:s30] =	ssyncset.done $0x0  }
0xa6: {  	[sflag:s30] =	ssyncadd.s32 $0xFFFFF800  }
0xa7: {  	_ =	swait.ge [sflag:s30], $0x800  }
0xa8: {  	[sflag:s30] =	ssyncset.done $0x0  }
0xa9: {  	[sflag:s30] =	ssyncadd.s32 $0xFFFFF800  }
0xaa: {  	_ =	swait.ge [sflag:s30], $0x800  }
0xab: {  	[sflag:s30] =	ssyncset.done $0x0  }
0xac: {  	[sflag:s30] =	ssyncadd.s32 $0xFFFFF800  }
0xad: {  	_ =	swait.ge [sflag:s30], $0x800  }
0xae: {  	[sflag:s30] =	ssyncset.done $0x0  }
0xaf: {  	[sflag:s30] =	ssyncadd.s32 $0xFFFFF800  }
0xb0: {  	_ =	swait.ge [sflag:s30], $0x800  }
0xb1: {  	s5 =	sld [smem:$0x7FD];
	_ =	sdelay $0x2  }
0xb2: {  	s0 =	simm.s32 $0x1A0;
	[sflag:s30] =	ssyncset.done $0x0;
	s1 =	smov.u32 s5  }
.LBB2_2:
0xb3: {  	[sflag:s30] =	ssyncadd.s32 $0xFFFFF800  }
0xb4: {  	_ =	swait.ge [sflag:s30], $0x800  }
0xb5: {  	[sflag:s30] =	ssyncset.done $0x0  }
0xb6: {  	[sflag:s30] =	ssyncadd.s32 $0xFFFFF800  }
0xb7: {  	_ =	swait.ge [sflag:s30], $0x800  }
0xb8: {  	[sflag:s30] =	ssyncset.done $0x0  }
0xb9: {  	[sflag:s30] =	ssyncadd.s32 $0xFFFFF800  }
0xba: {  	_ =	swait.ge [sflag:s30], $0x800  }
0xbb: {  	[sflag:s30] =	ssyncset.done $0x0  }
0xbc: {  	[sflag:s30] =	ssyncadd.s32 $0xFFFFF800  }
0xbd: {  	[hbm4b:s5+s2] =	stream.linear.scatter [tilespmem:s8], [sflag:$0x2], $0xD000, $0x38;
	[tilespmem:$0xDD00] =	vst v63  }
0xbe: {  	_ =	swait.ge [sflag:s6], $0xD000  }
0xbf: {  	s4 =	smov.u32 s0;
	s9 =	rddreg [dreg:$0x2];
	[sflag:s6] =	ssyncset.done $0x0  }
0xc0: {  	[sflag:s6] =	ssyncadd.s32 $0xFFFF3000;
	s4 =	sadd.s32 s4, s9  }
0xc1: {  	[tilespmem:s2], [sflag:$0x2] =	stream.linear.gather [hbm4b:s4+s2], $0xD00, $0x38;
	[tilespmem:$0xDD00] =	vst v63  }
0xc2: {  	_ =	swait.ge [sflag:s6], $0xD00  }
0xc3: {  	s4 =	rddreg [dreg:$0x1f]  }
0xc4: {  	s31 =	rddreg [dreg:$0x1d]  }
0xc5: {  	s9 =	rddreg [dreg:$0x1b]  }
0xc6: {  	s10 =	rddreg [dreg:$0x19]  }
0xc7: {  	s11 =	rddreg [dreg:$0x17]  }
0xc8: {  	s12 =	rddreg [dreg:$0x15]  }
0xc9: {  	s13 =	rddreg [dreg:$0x13]  }
0xca: {  	s14 =	rddreg [dreg:$0x11]  }
0xcb: {  	s15 =	rddreg [dreg:$0xf]  }
0xcc: {  	s16 =	rddreg [dreg:$0xd]  }
0xcd: {  	s17 =	rddreg [dreg:$0xb]  }
0xce: {  	s18 =	rddreg [dreg:$0x9]  }
0xcf: {  	[sflag:s6] =	ssyncset.done $0x0;
	s19 =	rddreg [dreg:$0x4]  }
0xd0: {  	s20 =	rddreg [dreg:$0x3];
	[sflag:s6] =	ssyncadd.s32 $0xFFFFF300  }
0xd1: {  	[tilespmem:s8], [sflag:$0x1] =	stream.indirect.gather [hbm4b:s3+s7], $0x10, s2, s7, $0xb8;
	[tilespmem:$0xDD00] =	vst v63  }
0xd2: {  	s21 =	rddreg [dreg:$0x5]  }
0xd3: {  	[tilespmem:s20], [sflag:$0x1] =	stream.indirect.gather [hbm4b:s3+s7], $0x10, s7, s7, $0xb8;
	[tilespmem:$0xDD00] =	vst v63  }
0xd4: {  	s22 =	rddreg [dreg:$0x7]  }
0xd5: {  	[tilespmem:s21], [sflag:$0x1] =	stream.indirect.gather [hbm4b:s3+s7], $0x10, s19, s7, $0xb8;
	[tilespmem:$0xDD00] =	vst v63  }
0xd6: {  	s20 =	rddreg [dreg:$0x6]  }
0xd7: {  	[tilespmem:s22], [sflag:$0x1] =	stream.indirect.gather [hbm4b:s3+s7], $0x10, s20, s7, $0xb8;
	[tilespmem:$0xDD00] =	vst v63  }
0xd8: {  	s19 =	rddreg [dreg:$0x8]  }
0xd9: {  	[tilespmem:s18], [sflag:$0x1] =	stream.indirect.gather [hbm4b:s3+s7], $0x10, s19, s7, $0xb8;
	[tilespmem:$0xDD00] =	vst v63  }
0xda: {  	s20 =	rddreg [dreg:$0xa]  }
0xdb: {  	[tilespmem:s17], [sflag:$0x1] =	stream.indirect.gather [hbm4b:s3+s7], $0x10, s20, s7, $0xb8;
	[tilespmem:$0xDD00] =	vst v63  }
0xdc: {  	s18 =	rddreg [dreg:$0xc]  }
0xdd: {  	[tilespmem:s16], [sflag:$0x1] =	stream.indirect.gather [hbm4b:s3+s7], $0x10, s18, s7, $0xb8;
	[tilespmem:$0xDD00] =	vst v63  }
0xde: {  	s17 =	rddreg [dreg:$0xe]  }
0xdf: {  	[tilespmem:s15], [sflag:$0x1] =	stream.indirect.gather [hbm4b:s3+s7], $0x10, s17, s7, $0xb8;
	[tilespmem:$0xDD00] =	vst v63  }
0xe0: {  	s16 =	rddreg [dreg:$0x10]  }
0xe1: {  	[tilespmem:s14], [sflag:$0x1] =	stream.indirect.gather [hbm4b:s3+s7], $0x10, s16, s7, $0xb8;
	[tilespmem:$0xDD00] =	vst v63  }
0xe2: {  	s15 =	rddreg [dreg:$0x12]  }
0xe3: {  	[tilespmem:s13], [sflag:$0x1] =	stream.indirect.gather [hbm4b:s3+s7], $0x10, s15, s7, $0xb8;
	[tilespmem:$0xDD00] =	vst v63  }
0xe4: {  	s14 =	rddreg [dreg:$0x14]  }
0xe5: {  	[tilespmem:s12], [sflag:$0x1] =	stream.indirect.gather [hbm4b:s3+s7], $0x10, s14, s7, $0xb8;
	[tilespmem:$0xDD00] =	vst v63  }
0xe6: {  	s13 =	rddreg [dreg:$0x16]  }
0xe7: {  	[tilespmem:s11], [sflag:$0x1] =	stream.indirect.gather [hbm4b:s3+s7], $0x10, s13, s7, $0xb8;
	[tilespmem:$0xDD00] =	vst v63  }
0xe8: {  	s12 =	rddreg [dreg:$0x18]  }
0xe9: {  	[tilespmem:s10], [sflag:$0x1] =	stream.indirect.gather [hbm4b:s3+s7], $0x10, s12, s7, $0xb8;
	[tilespmem:$0xDD00] =	vst v63  }
0xea: {  	s11 =	rddreg [dreg:$0x1a]  }
0xeb: {  	[tilespmem:s9], [sflag:$0x1] =	stream.indirect.gather [hbm4b:s3+s7], $0x10, s11, s7, $0xb8;
	[tilespmem:$0xDD00] =	vst v63  }
0xec: {  	s10 =	rddreg [dreg:$0x1c]  }
0xed: {  	[tilespmem:s31], [sflag:$0x1] =	stream.indirect.gather [hbm4b:s3+s7], $0x10, s10, s7, $0xb8;
	[tilespmem:$0xDD00] =	vst v63  }
0xee: {  	s9 =	rddreg [dreg:$0x1e]  }
0xef: {  	[tilespmem:s4], [sflag:$0x1] =	stream.indirect.gather [hbm4b:s3+s7], $0x10, s9, s7, $0xb8;
	[tilespmem:$0xDD00] =	vst v63  }
0xf0: {  	s10 =	simm.s32 $0x8D00;
	s9 =	simm.s32 $0x800  }
0xf1: {  	[tilespmem:s10], [sflag:$0x1] =	stream.indirect.gather [hbm4b:s3+s7], $0x10, s9, s7, $0xb8;
	[tilespmem:$0xDD00] =	vst v63  }
0xf2: {  	s12 =	simm.s32 $0x9500;
	s11 =	simm.s32 $0x880  }
0xf3: {  	[tilespmem:s12], [sflag:$0x1] =	stream.indirect.gather [hbm4b:s3+s7], $0x10, s11, s7, $0xb8;
	[tilespmem:$0xDD00] =	vst v63  }
0xf4: {  	s14 =	simm.s32 $0x9D00;
	s13 =	simm.s32 $0x900  }
0xf5: {  	[tilespmem:s14], [sflag:$0x1] =	stream.indirect.gather [hbm4b:s3+s7], $0x10, s13, s7, $0xb8;
	[tilespmem:$0xDD00] =	vst v63  }
0xf6: {  	s16 =	simm.s32 $0xA500;
	s15 =	simm.s32 $0x980  }
0xf7: {  	[tilespmem:s16], [sflag:$0x1] =	stream.indirect.gather [hbm4b:s3+s7], $0x10, s15, s7, $0xb8;
	[tilespmem:$0xDD00] =	vst v63  }
0xf8: {  	s18 =	simm.s32 $0xAD00;
	s17 =	simm.s32 $0xA00  }
0xf9: {  	[tilespmem:s18], [sflag:$0x1] =	stream.indirect.gather [hbm4b:s3+s7], $0x10, s17, s7, $0xb8;
	[tilespmem:$0xDD00] =	vst v63  }
0xfa: {  	s19 =	simm.s32 $0xA80;
	s20 =	simm.s32 $0xB500  }
0xfb: {  	[tilespmem:s20], [sflag:$0x1] =	stream.indirect.gather [hbm4b:s3+s7], $0x10, s19, s7, $0xb8;
	[tilespmem:$0xDD00] =	vst v63  }
0xfc: {  	s21 =	simm.s32 $0xB00;
	s22 =	simm.s32 $0xBD00  }
0xfd: {  	[tilespmem:s22], [sflag:$0x1] =	stream.indirect.gather [hbm4b:s3+s7], $0x10, s21, s7, $0xb8;
	[tilespmem:$0xDD00] =	vst v63  }
0xfe: {  	_ = 	snop  }
0xff: {  	[tilespmem:s24], [sflag:$0x1] =	stream.indirect.gather [hbm4b:s3+s7], $0x10, s23, s7, $0xb8;
	[tilespmem:$0xDD00] =	vst v63  }
0x100: {  	_ = 	snop  }
0x101: {  	[tilespmem:s26], [sflag:$0x1] =	stream.indirect.gather [hbm4b:s3+s7], $0x10, s25, s7, $0xb8;
	[tilespmem:$0xDD00] =	vst v63  }
0x102: {  	_ = 	snop  }
0x103: {  	[tilespmem:s29], [sflag:$0x1] =	stream.indirect.gather [hbm4b:s3+s7], $0x10, s28, s7, $0xb8;
	[tilespmem:$0xDD00] =	vst v63  }
0x104: {  	_ =	swait.ge [sflag:s30], $0x800  }
0x105: {  	[sflag:s30] =	ssyncset.done $0x0  }
0x106: {  	[sflag:s30] =	ssyncadd.s32 $0xFFFFF800  }
0x107: {  	_ =	swait.ge [sflag:s30], $0x800  }
0x108: {  	[sflag:s30] =	ssyncset.done $0x0  }
0x109: {  	[sflag:s30] =	ssyncadd.s32 $0xFFFFF800  }
0x10a: {  	_ =	swait.ge [sflag:s30], $0x800  }
0x10b: {  	[sflag:s30] =	ssyncset.done $0x0  }
0x10c: {  	[sflag:s30] =	ssyncadd.s32 $0xFFFFF800  }
0x10d: {  	_ =	swait.ge [sflag:s30], $0x800  }
0x10e: {  	[sflag:s30] =	ssyncset.done $0x0  }
0x10f: {  	[sflag:s30] =	ssyncadd.s32 $0xFFFFF800  }
0x110: {  	_ =	swait.ge [sflag:s30], $0x800  }
0x111: {  	[sflag:s30] =	ssyncset.done $0x0  }
0x112: {  	[sflag:s30] =	ssyncadd.s32 $0xFFFFF800  }
0x113: {  	_ =	swait.ge [sflag:s30], $0x800  }
0x114: {  	[sflag:s30] =	ssyncset.done $0x0  }
0x115: {  	[sflag:s30] =	ssyncadd.s32 $0xFFFFF800  }
0x116: {  	_ =	swait.ge [sflag:s30], $0x800  }
0x117: {  	[sflag:s30] =	ssyncset.done $0x0  }
0x118: {  	[sflag:s30] =	ssyncadd.s32 $0xFFFFF800  }
0x119: {  	_ =	swait.ge [sflag:s30], $0x800  }
0x11a: {  	[sflag:s30] =	ssyncset.done $0x0  }
0x11b: {  	[sflag:s30] =	ssyncadd.s32 $0xFFFFF800  }
0x11c: {  	_ =	swait.ge [sflag:s30], $0x800  }
0x11d: {  	[sflag:s30] =	ssyncset.done $0x0  }
0x11e: {  	[sflag:s30] =	ssyncadd.s32 $0xFFFFF800  }
0x11f: {  	_ =	swait.ge [sflag:s30], $0x800  }
0x120: {  	[sflag:s30] =	ssyncset.done $0x0  }
0x121: {  	[sflag:s30] =	ssyncadd.s32 $0xFFFFF800  }
0x122: {  	_ =	swait.ge [sflag:s30], $0x800  }
0x123: {  	[sflag:s30] =	ssyncset.done $0x0  }
0x124: {  	[sflag:s30] =	ssyncadd.s32 $0xFFFFF800  }
0x125: {  	_ =	swait.ge [sflag:s30], $0x800  }
0x126: {  	[sflag:s30] =	ssyncset.done $0x0  }
0x127: {  	[sflag:s30] =	ssyncadd.s32 $0xFFFFF800  }
0x128: {  	_ =	swait.ge [sflag:s30], $0x800  }
0x129: {  	[sflag:s30] =	ssyncset.done $0x0  }
0x12a: {  	[sflag:s30] =	ssyncadd.s32 $0xFFFFF800  }
0x12b: {  	_ =	swait.ge [sflag:s30], $0x800  }
0x12c: {  	[sflag:s30] =	ssyncset.done $0x0  }
0x12d: {  	[sflag:s30] =	ssyncadd.s32 $0xFFFFF800  }
0x12e: {  	_ =	swait.ge [sflag:s30], $0x800  }
0x12f: {  	[sflag:s30] =	ssyncset.done $0x0  }
0x130: {  	[sflag:s30] =	ssyncadd.s32 $0xFFFFF800  }
0x131: {  	_ =	swait.ge [sflag:s30], $0x800  }
0x132: {  	[sflag:s30] =	ssyncset.done $0x0  }
0x133: {  	[sflag:s30] =	ssyncadd.s32 $0xFFFFF800  }
0x134: {  	_ =	swait.ge [sflag:s30], $0x800  }
0x135: {  	[sflag:s30] =	ssyncset.done $0x0  }
0x136: {  	[sflag:s30] =	ssyncadd.s32 $0xFFFFF800  }
0x137: {  	_ =	swait.ge [sflag:s30], $0x800  }
0x138: {  	[sflag:s30] =	ssyncset.done $0x0  }
0x139: {  	[sflag:s30] =	ssyncadd.s32 $0xFFFFF800  }
0x13a: {  	_ =	swait.ge [sflag:s30], $0x800  }
0x13b: {  	[sflag:s30] =	ssyncset.done $0x0  }
0x13c: {  	[sflag:s30] =	ssyncadd.s32 $0xFFFFF800  }
0x13d: {  	_ =	swait.ge [sflag:s30], $0x800  }
0x13e: {  	[sflag:s30] =	ssyncset.done $0x0  }
0x13f: {  	[sflag:s30] =	ssyncadd.s32 $0xFFFFF800  }
0x140: {  	_ =	swait.ge [sflag:s30], $0x800  }
0x141: {  	[sflag:s30] =	ssyncset.done $0x0  }
0x142: {  	p0 =	sne.s32 s0, $0x4E0;
	[sflag:s30] =	ssyncadd.s32 $0xFFFFF800  }
.Ltmp0:
0x143: {  	_ =	swait.ge [sflag:s30], $0x800;
	(pc) =	sbr.rel @p0 .LBB2_2-.Ltmp0, $4  }
0x144: {  	[sflag:s30] =	ssyncset.done $0x0  }
0x145: {  	[sflag:s30] =	ssyncadd.s32 $0xFFFFF800  }
0x146: {  	s1 =	sadd.s32 $0x1A00, s1;
	_ =	swait.ge [sflag:s30], $0x800  }
0x147: {  	s0 =	sadd.s32 $0x1A0, s0;
	s5 =	smov.u32 s1;
	[sflag:s30] =	ssyncset.done $0x0  }
0x148: {  	[sflag:s30] =	ssyncadd.s32 $0xFFFFF800  }
0x149: {  	_ =	swait.ge [sflag:s30], $0x800  }
0x14a: {  	[sflag:s30] =	ssyncset.done $0x0  }
0x14b: {  	[sflag:s30] =	ssyncadd.s32 $0xFFFFF800  }
0x14c: {  	_ =	swait.ge [sflag:s30], $0x800  }
0x14d: {  	[sflag:s30] =	ssyncset.done $0x0  }
0x14e: {  	[sflag:s30] =	ssyncadd.s32 $0xFFFFF800  }
0x14f: {  	_ =	swait.ge [sflag:s30], $0x800  }
0x150: {  	[sflag:s30] =	ssyncset.done $0x0  }
0x151: {  	[sflag:s30] =	ssyncadd.s32 $0xFFFFF800  }
0x152: {  	[hbm4b:s5+s2] =	stream.linear.scatter [tilespmem:s8], [sflag:$0x2], $0xD000, $0x38;
	[tilespmem:$0xDD00] =	vst v63  }
0x153: {  	_ =	swait.ge [sflag:s6], $0xD000  }
0x154: {  	s1 =	sld [smem:$0x7FB]  }
0x155: {  	s0 =	sld [smem:$0x7FC];
	_ =	sdelay $0x1  }
0x156: {  	s1 =	sadd.s32 $0x1, s1  }
0x157: {  	p0 =	sne.s32 s1, s0  }
.Ltmp1:
0x158: {  	_ = 	snop;
	(pc) =	sbr.rel @p0 .LBB2_1-.Ltmp1, $3  }
0x159: {  	_ =	sdelay $0x1  }
0x15a: {  	[sflag:s6] =	ssyncset.done $0x0  }
0x15b: {  	[sflag:s6] =	ssyncadd.s32 $0xFFFF3000  }
0x15c: {  	_ =	sfence.sel $0x180000  }
0x15d: {  	[bflag:$0x0] =	sbarrier.arrive $0xFFFF  }
0x15e: {  	_ =	strace $0x90000047  }
0x15f: {  	s0 =	stileid.u32;
	[bflag:$0x2] =	sbarrier.arrive $0xFFFF  }
0x160: {  	p0 =	sne.s32 s0, $0x0;
	s0 =	rddreg [dreg:$0x1]  }
0x161: {  	s0 =	sadd.s32 @!p0 $0x100000, s0  }
0x162: {  	[sflag:s0] =	ssyncadd.tile.s32 @!p0 $0x1;
	_ =	shalt  }
.Lfunc_end2:
_tile_overlayer_lowered:
.L_overlay_start_2:
0x163: {  	(tag) =	ssettag $0x2  }
0x164: {  	s0 =	rddreg [dreg:$0x0];
	s2 =	stileid.u32  }
0x165: {  	s1 =	rddreg [dreg:$0x1];
	p0 =	sne.s32 s2, $0x0  }
0x166: {  	s3 =	rddreg [dreg:$0x2];
	[bflag:$0x3] =	sbarrier.arrive $0xFFFF;
	s2 =	simm.s32 @!p0 $0x1C02  }
0x167: {  	[timem:s3], [sflag:s2] =	dma.local @!p0 [hbm:s0], s1  }
0x168: {  	s0 =	simm.s32 @!p0 $0x2  }
0x169: {  	_ =	swait.ge @!p0 [sflag:s0], s1  }
0x16a: {  	s1 =	ssub.s32 @!p0 $0x0, s1;
	[sflag:s0] =	ssyncset.done @!p0 $0x0  }
0x16b: {  	[sflag:s0] =	ssyncadd.s32 @!p0 s1  }
0x16c: {  	[bflag:$0x3] =	sbarrier.arrive $0xFFFF  }
0x16d: {  	_ =	shalt  }

</sc_bundles>
